<compile_context>
chip_gen: v7x
topology: tpu7x:2x2x1
jax: 0.10.2.dev20260603
libtpu: 0.0.44.dev20260713+nightly
codegen_flags: <defaults>
</compile_context>

<pallas_src>
import functools

import jax
import jax.numpy as jnp
from jax import lax
from jax.experimental import pallas as pl
from jax.experimental.pallas import tpu as pltpu
from jax.experimental.pallas import tpu_sc as plsc

EMBD = 64
CHUNK = 128
NBUF = 6


@functools.lru_cache(maxsize=None)
def _make_gather(n_rows: int):
    info = plsc.get_sparse_core_info()
    nw = info.num_cores * info.num_subcores
    assert n_rows % (nw * CHUNK) == 0
    chunks_per_w = n_rows // (nw * CHUNK)
    rows_per_w = chunks_per_w * CHUNK

    mesh = plsc.VectorSubcoreMesh(core_axis_name="c", subcore_axis_name="s")

    @functools.partial(
        pl.kernel,
        out_type=jax.ShapeDtypeStruct((n_rows, EMBD), jnp.float32),
        mesh=mesh,
        scratch_types=[
            pltpu.VMEM((chunks_per_w, CHUNK), jnp.int32),
            pltpu.VMEM((NBUF, CHUNK, EMBD), jnp.float32),
            pltpu.SemaphoreType.DMA((NBUF,)),
            pltpu.SemaphoreType.DMA((NBUF,)),
        ],
        compiler_params=pltpu.CompilerParams(use_tc_tiling_on_sc=False),
    )
    def gather(idx_hbm, table_hbm, out_hbm, idx_v, rows_v, gsem, osem):
        wid = lax.axis_index("s") * info.num_cores + lax.axis_index("c")
        pltpu.sync_copy(idx_hbm.at[wid], idx_v)
        out_base = wid * rows_per_w

        def start_gather(k):
            b = lax.rem(k, NBUF)
            pltpu.async_copy(table_hbm.at[idx_v.at[k]], rows_v.at[b], gsem.at[b])

        def wait_gather(k):
            b = lax.rem(k, NBUF)
            pltpu.make_async_copy(
                table_hbm.at[idx_v.at[k]], rows_v.at[b], gsem.at[b]
            ).wait()

        def out_ref(k):
            return out_hbm.at[pl.ds(out_base + k * CHUNK, CHUNK)]

        def start_out(k):
            b = lax.rem(k, NBUF)
            pltpu.async_copy(rows_v.at[b], out_ref(k), osem.at[b])

        def wait_out(k):
            b = lax.rem(k, NBUF)
            pltpu.make_async_copy(rows_v.at[b], out_ref(k), osem.at[b]).wait()

        for k in range(NBUF - 1):
            start_gather(k)

        def body(j, _):
            jn = j + NBUF - 1

            @pl.when(jnp.logical_and(jn < chunks_per_w, j > 0))
            def _():
                wait_out(j - 1)

            @pl.when(jn < chunks_per_w)
            def _():
                start_gather(jn)

            wait_gather(j)
            start_out(j)
            return 0

        lax.fori_loop(0, chunks_per_w, body, 0)

        for t in range(NBUF):
            wait_out(chunks_per_w - NBUF + t)

    return gather


def kernel(x, table):
    batch, seq = x.shape
    n_rows = batch * seq
    info = plsc.get_sparse_core_info()
    nw = info.num_cores * info.num_subcores
    x_t = jnp.swapaxes(x, 0, 1)
    idx = x_t.astype(jnp.int32).reshape(nw, n_rows // (nw * CHUNK), CHUNK)
    out = _make_gather(n_rows)(idx, table)
    return jnp.swapaxes(out.reshape(seq, batch, EMBD), 0, 1)

# --- scband reference (transcript-rebuilt; emitter-appended) ---
"""Pipeline reference for scband-word-embedding-13194139533554 (READ-ONLY COPY).

The authoritative reference and input builder live on the scoring server;
editing this copy changes nothing except your own understanding.
"""

import jax, jax.numpy as jnp
import numpy as np

VOCAB_SIZE = 1000000
EMBD_SIZE = 64
BATCH = 4096
SEQ_LEN = 50

def setup_inputs(seed: int = 0) -> dict:
    key = jax.random.key(seed)
    k1, k2 = jax.random.split(key)
    x = jax.random.randint(k1, (BATCH, SEQ_LEN), 0, VOCAB_SIZE, dtype=jnp.int64 if jax.config.jax_enable_x64 else jnp.int32)
    table = jax.random.normal(k2, (VOCAB_SIZE, EMBD_SIZE), dtype=jnp.float32) * 0.02
    return {"x": x, "table": table}

def reference(x, table):
    # nn.Embedding lookup: out[n, s, :] = table[x[n, s], :]
    return jnp.take(table, x, axis=0)

if __name__ == "__main__":
    import jax
    _d = setup_inputs()
    print(jax.jit(kernel)(*tuple(_d.values())))

</pallas_src>

<mosaic_0001>
#map = affine_map<(d0, d1) -> (0, 0, 0)>
#map1 = affine_map<(d0, d1) -> (0, 0)>
module attributes {stable_mosaic.version = 14 : i64} {
  func.func @gather(%arg0: i32, %arg1: i32, %arg2: memref<32x50x128xi32, #tpu.memory_space<hbm>>, %arg3: memref<1000000x64xf32, #tpu.memory_space<hbm>>, %arg4: memref<204800x64xf32, #tpu.memory_space<hbm>>, %arg5: memref<50x128xi32, #tpu.memory_space<vmem>>, %arg6: memref<6x128x64xf32, #tpu.memory_space<vmem>>, %arg7: memref<6x!tpu.dma_semaphore, #tpu.memory_space<semaphore_mem>>, %arg8: memref<6x!tpu.dma_semaphore, #tpu.memory_space<semaphore_mem>>) attributes {dimension_semantics = [#tpu.dimension_semantics<core_parallel>, #tpu.dimension_semantics<subcore_parallel>], iteration_bounds = array<i64: 2, 16>, scalar_prefetch = 0 : i64, scratch_operands = 4 : i64, tpu.core_type = #tpu.core_type<sc_vector_subcore>, window_params = [{transform_indices = #map}, {transform_indices = #map1}, {transform_indices = #map1}]} {
    %mul3A = arith.constant 2 : i32
    %mul3A_0 = arith.muli %arg1, %mul3A : i32
    %add3A = arith.addi %mul3A_0, %arg0 : i32
    "tpu.region"() ({
      %run_scoped3A = tpu.sem_alloc : memref<!tpu.dma_semaphore, #tpu.memory_space<semaphore_mem>>
      %dma_start3A_200 = arith.constant 0 : i32
      %dma_start3A_201 = arith.constant 0 : i32
      %dma_start3A_202 = tpu.memref_slice %arg2[%add3A, %dma_start3A_200, %dma_start3A_201] : memref<32x50x128xi32, #tpu.memory_space<hbm>> -> memref<1x50x128xi32, #tpu.memory_space<hbm>>
      %dma_start3A_203 = tpu.memref_squeeze %dma_start3A_202 : memref<1x50x128xi32, #tpu.memory_space<hbm>> -> memref<50x128xi32, #tpu.memory_space<hbm>>
      %dma_start3A_204 = arith.constant 0 : i32
      %dma_start3A_205 = arith.constant 0 : i32
      %dma_start3A_206 = tpu.memref_slice %arg2[%add3A, %dma_start3A_204, %dma_start3A_205] : memref<32x50x128xi32, #tpu.memory_space<hbm>> -> memref<1x50x128xi32, #tpu.memory_space<hbm>>
      %dma_start3A_207 = tpu.memref_squeeze %dma_start3A_206 : memref<1x50x128xi32, #tpu.memory_space<hbm>> -> memref<50x128xi32, #tpu.memory_space<hbm>>
      tpu.enqueue_dma source(%dma_start3A_207 : memref<50x128xi32, #tpu.memory_space<hbm>>) target(%arg5 : memref<50x128xi32, #tpu.memory_space<vmem>>) target_semaphore(%run_scoped3A : memref<!tpu.dma_semaphore, #tpu.memory_space<semaphore_mem>>)
      %dma_wait3A_208 = arith.constant 0 : i32
      %dma_wait3A_209 = arith.constant 0 : i32
      %dma_wait3A_210 = tpu.memref_slice %arg2[%add3A, %dma_wait3A_208, %dma_wait3A_209] : memref<32x50x128xi32, #tpu.memory_space<hbm>> -> memref<1x50x128xi32, #tpu.memory_space<hbm>>
      %dma_wait3A_211 = tpu.memref_squeeze %dma_wait3A_210 : memref<1x50x128xi32, #tpu.memory_space<hbm>> -> memref<50x128xi32, #tpu.memory_space<hbm>>
      %dma_wait3A_212 = arith.constant 0 : i32
      %dma_wait3A_213 = arith.constant 0 : i32
      %dma_wait3A_214 = tpu.memref_slice %arg2[%add3A, %dma_wait3A_212, %dma_wait3A_213] : memref<32x50x128xi32, #tpu.memory_space<hbm>> -> memref<1x50x128xi32, #tpu.memory_space<hbm>>
      %dma_wait3A_215 = tpu.memref_squeeze %dma_wait3A_214 : memref<1x50x128xi32, #tpu.memory_space<hbm>> -> memref<50x128xi32, #tpu.memory_space<hbm>>
      tpu.wait_dma2 semaphore(%run_scoped3A : memref<!tpu.dma_semaphore, #tpu.memory_space<semaphore_mem>>) src(%dma_wait3A_215 : memref<50x128xi32, #tpu.memory_space<hbm>>) dst(%arg5 : memref<50x128xi32, #tpu.memory_space<vmem>>)
      tpu.yield
    }) : () -> ()
    %mul3A_1 = arith.constant 6400 : i32
    %mul3A_2 = arith.muli %add3A, %mul3A_1 : i32
    %rem3A = arith.constant 0 : i32
    %rem3A_3 = arith.constant 6 : i32
    %rem3A_4 = arith.remsi %rem3A, %rem3A_3 : i32
    %dma_start3A = arith.constant 0 : i32
    %dma_start3A_5 = arith.constant 0 : i32
    %dma_start3A_6 = arith.constant 0 : i32
    %dma_start3A_7 = tpu.memref_slice %arg6[%rem3A_4, %dma_start3A_5, %dma_start3A_6] : memref<6x128x64xf32, #tpu.memory_space<vmem>> -> memref<1x128x64xf32, #tpu.memory_space<vmem>>
    %dma_start3A_8 = tpu.memref_squeeze %dma_start3A_7 : memref<1x128x64xf32, #tpu.memory_space<vmem>> -> memref<128x64xf32, #tpu.memory_space<vmem>>
    %dma_start3A_9 = arith.constant 0 : i32
    %dma_start3A_10 = tpu.memref_slice %arg5[%dma_start3A, %dma_start3A_9] : memref<50x128xi32, #tpu.memory_space<vmem>> -> memref<1x128xi32, #tpu.memory_space<vmem>>
    %dma_start3A_11 = tpu.memref_squeeze %dma_start3A_10 : memref<1x128xi32, #tpu.memory_space<vmem>> -> memref<128xi32, #tpu.memory_space<vmem>>
    %dma_start3A_12 = arith.constant 0 : i32
    %dma_start3A_13 = arith.constant 0 : i32
    %dma_start3A_14 = tpu.memref_slice %arg3[%dma_start3A_12, %dma_start3A_13] : memref<1000000x64xf32, #tpu.memory_space<hbm>> -> memref<1000000x64xf32, #tpu.memory_space<hbm>>
    %dma_start3A_15 = tpu.memref_slice %arg7[%rem3A_4] : memref<6x!tpu.dma_semaphore, #tpu.memory_space<semaphore_mem>> -> memref<1x!tpu.dma_semaphore, #tpu.memory_space<semaphore_mem>>
    %dma_start3A_16 = tpu.memref_squeeze %dma_start3A_15 : memref<1x!tpu.dma_semaphore, #tpu.memory_space<semaphore_mem>> -> memref<!tpu.dma_semaphore, #tpu.memory_space<semaphore_mem>>
    tpu.enqueue_indirect_dma source(%dma_start3A_14 : memref<1000000x64xf32, #tpu.memory_space<hbm>>) target(%dma_start3A_8 : memref<128x64xf32, #tpu.memory_space<vmem>>) offsets(%dma_start3A_11 : memref<128xi32, #tpu.memory_space<vmem>>) semaphore(%dma_start3A_16 : memref<!tpu.dma_semaphore, #tpu.memory_space<semaphore_mem>>)
    %rem3A_17 = arith.constant 1 : i32
    %rem3A_18 = arith.constant 6 : i32
    %rem3A_19 = arith.remsi %rem3A_17, %rem3A_18 : i32
    %dma_start3A_20 = arith.constant 1 : i32
    %dma_start3A_21 = arith.constant 0 : i32
    %dma_start3A_22 = arith.constant 0 : i32
    %dma_start3A_23 = tpu.memref_slice %arg6[%rem3A_19, %dma_start3A_21, %dma_start3A_22] : memref<6x128x64xf32, #tpu.memory_space<vmem>> -> memref<1x128x64xf32, #tpu.memory_space<vmem>>
    %dma_start3A_24 = tpu.memref_squeeze %dma_start3A_23 : memref<1x128x64xf32, #tpu.memory_space<vmem>> -> memref<128x64xf32, #tpu.memory_space<vmem>>
    %dma_start3A_25 = arith.constant 0 : i32
    %dma_start3A_26 = tpu.memref_slice %arg5[%dma_start3A_20, %dma_start3A_25] : memref<50x128xi32, #tpu.memory_space<vmem>> -> memref<1x128xi32, #tpu.memory_space<vmem>>
    %dma_start3A_27 = tpu.memref_squeeze %dma_start3A_26 : memref<1x128xi32, #tpu.memory_space<vmem>> -> memref<128xi32, #tpu.memory_space<vmem>>
    %dma_start3A_28 = arith.constant 0 : i32
    %dma_start3A_29 = arith.constant 0 : i32
    %dma_start3A_30 = tpu.memref_slice %arg3[%dma_start3A_28, %dma_start3A_29] : memref<1000000x64xf32, #tpu.memory_space<hbm>> -> memref<1000000x64xf32, #tpu.memory_space<hbm>>
    %dma_start3A_31 = tpu.memref_slice %arg7[%rem3A_19] : memref<6x!tpu.dma_semaphore, #tpu.memory_space<semaphore_mem>> -> memref<1x!tpu.dma_semaphore, #tpu.memory_space<semaphore_mem>>
    %dma_start3A_32 = tpu.memref_squeeze %dma_start3A_31 : memref<1x!tpu.dma_semaphore, #tpu.memory_space<semaphore_mem>> -> memref<!tpu.dma_semaphore, #tpu.memory_space<semaphore_mem>>
    tpu.enqueue_indirect_dma source(%dma_start3A_30 : memref<1000000x64xf32, #tpu.memory_space<hbm>>) target(%dma_start3A_24 : memref<128x64xf32, #tpu.memory_space<vmem>>) offsets(%dma_start3A_27 : memref<128xi32, #tpu.memory_space<vmem>>) semaphore(%dma_start3A_32 : memref<!tpu.dma_semaphore, #tpu.memory_space<semaphore_mem>>)
    %rem3A_33 = arith.constant 2 : i32
    %rem3A_34 = arith.constant 6 : i32
    %rem3A_35 = arith.remsi %rem3A_33, %rem3A_34 : i32
    %dma_start3A_36 = arith.constant 2 : i32
    %dma_start3A_37 = arith.constant 0 : i32
    %dma_start3A_38 = arith.constant 0 : i32
    %dma_start3A_39 = tpu.memref_slice %arg6[%rem3A_35, %dma_start3A_37, %dma_start3A_38] : memref<6x128x64xf32, #tpu.memory_space<vmem>> -> memref<1x128x64xf32, #tpu.memory_space<vmem>>
    %dma_start3A_40 = tpu.memref_squeeze %dma_start3A_39 : memref<1x128x64xf32, #tpu.memory_space<vmem>> -> memref<128x64xf32, #tpu.memory_space<vmem>>
    %dma_start3A_41 = arith.constant 0 : i32
    %dma_start3A_42 = tpu.memref_slice %arg5[%dma_start3A_36, %dma_start3A_41] : memref<50x128xi32, #tpu.memory_space<vmem>> -> memref<1x128xi32, #tpu.memory_space<vmem>>
    %dma_start3A_43 = tpu.memref_squeeze %dma_start3A_42 : memref<1x128xi32, #tpu.memory_space<vmem>> -> memref<128xi32, #tpu.memory_space<vmem>>
    %dma_start3A_44 = arith.constant 0 : i32
    %dma_start3A_45 = arith.constant 0 : i32
    %dma_start3A_46 = tpu.memref_slice %arg3[%dma_start3A_44, %dma_start3A_45] : memref<1000000x64xf32, #tpu.memory_space<hbm>> -> memref<1000000x64xf32, #tpu.memory_space<hbm>>
    %dma_start3A_47 = tpu.memref_slice %arg7[%rem3A_35] : memref<6x!tpu.dma_semaphore, #tpu.memory_space<semaphore_mem>> -> memref<1x!tpu.dma_semaphore, #tpu.memory_space<semaphore_mem>>
    %dma_start3A_48 = tpu.memref_squeeze %dma_start3A_47 : memref<1x!tpu.dma_semaphore, #tpu.memory_space<semaphore_mem>> -> memref<!tpu.dma_semaphore, #tpu.memory_space<semaphore_mem>>
    tpu.enqueue_indirect_dma source(%dma_start3A_46 : memref<1000000x64xf32, #tpu.memory_space<hbm>>) target(%dma_start3A_40 : memref<128x64xf32, #tpu.memory_space<vmem>>) offsets(%dma_start3A_43 : memref<128xi32, #tpu.memory_space<vmem>>) semaphore(%dma_start3A_48 : memref<!tpu.dma_semaphore, #tpu.memory_space<semaphore_mem>>)
    %rem3A_49 = arith.constant 3 : i32
    %rem3A_50 = arith.constant 6 : i32
    %rem3A_51 = arith.remsi %rem3A_49, %rem3A_50 : i32
    %dma_start3A_52 = arith.constant 3 : i32
    %dma_start3A_53 = arith.constant 0 : i32
    %dma_start3A_54 = arith.constant 0 : i32
    %dma_start3A_55 = tpu.memref_slice %arg6[%rem3A_51, %dma_start3A_53, %dma_start3A_54] : memref<6x128x64xf32, #tpu.memory_space<vmem>> -> memref<1x128x64xf32, #tpu.memory_space<vmem>>
    %dma_start3A_56 = tpu.memref_squeeze %dma_start3A_55 : memref<1x128x64xf32, #tpu.memory_space<vmem>> -> memref<128x64xf32, #tpu.memory_space<vmem>>
    %dma_start3A_57 = arith.constant 0 : i32
    %dma_start3A_58 = tpu.memref_slice %arg5[%dma_start3A_52, %dma_start3A_57] : memref<50x128xi32, #tpu.memory_space<vmem>> -> memref<1x128xi32, #tpu.memory_space<vmem>>
    %dma_start3A_59 = tpu.memref_squeeze %dma_start3A_58 : memref<1x128xi32, #tpu.memory_space<vmem>> -> memref<128xi32, #tpu.memory_space<vmem>>
    %dma_start3A_60 = arith.constant 0 : i32
    %dma_start3A_61 = arith.constant 0 : i32
    %dma_start3A_62 = tpu.memref_slice %arg3[%dma_start3A_60, %dma_start3A_61] : memref<1000000x64xf32, #tpu.memory_space<hbm>> -> memref<1000000x64xf32, #tpu.memory_space<hbm>>
    %dma_start3A_63 = tpu.memref_slice %arg7[%rem3A_51] : memref<6x!tpu.dma_semaphore, #tpu.memory_space<semaphore_mem>> -> memref<1x!tpu.dma_semaphore, #tpu.memory_space<semaphore_mem>>
    %dma_start3A_64 = tpu.memref_squeeze %dma_start3A_63 : memref<1x!tpu.dma_semaphore, #tpu.memory_space<semaphore_mem>> -> memref<!tpu.dma_semaphore, #tpu.memory_space<semaphore_mem>>
    tpu.enqueue_indirect_dma source(%dma_start3A_62 : memref<1000000x64xf32, #tpu.memory_space<hbm>>) target(%dma_start3A_56 : memref<128x64xf32, #tpu.memory_space<vmem>>) offsets(%dma_start3A_59 : memref<128xi32, #tpu.memory_space<vmem>>) semaphore(%dma_start3A_64 : memref<!tpu.dma_semaphore, #tpu.memory_space<semaphore_mem>>)
    %rem3A_65 = arith.constant 4 : i32
    %rem3A_66 = arith.constant 6 : i32
    %rem3A_67 = arith.remsi %rem3A_65, %rem3A_66 : i32
    %dma_start3A_68 = arith.constant 4 : i32
    %dma_start3A_69 = arith.constant 0 : i32
    %dma_start3A_70 = arith.constant 0 : i32
    %dma_start3A_71 = tpu.memref_slice %arg6[%rem3A_67, %dma_start3A_69, %dma_start3A_70] : memref<6x128x64xf32, #tpu.memory_space<vmem>> -> memref<1x128x64xf32, #tpu.memory_space<vmem>>
    %dma_start3A_72 = tpu.memref_squeeze %dma_start3A_71 : memref<1x128x64xf32, #tpu.memory_space<vmem>> -> memref<128x64xf32, #tpu.memory_space<vmem>>
    %dma_start3A_73 = arith.constant 0 : i32
    %dma_start3A_74 = tpu.memref_slice %arg5[%dma_start3A_68, %dma_start3A_73] : memref<50x128xi32, #tpu.memory_space<vmem>> -> memref<1x128xi32, #tpu.memory_space<vmem>>
    %dma_start3A_75 = tpu.memref_squeeze %dma_start3A_74 : memref<1x128xi32, #tpu.memory_space<vmem>> -> memref<128xi32, #tpu.memory_space<vmem>>
    %dma_start3A_76 = arith.constant 0 : i32
    %dma_start3A_77 = arith.constant 0 : i32
    %dma_start3A_78 = tpu.memref_slice %arg3[%dma_start3A_76, %dma_start3A_77] : memref<1000000x64xf32, #tpu.memory_space<hbm>> -> memref<1000000x64xf32, #tpu.memory_space<hbm>>
    %dma_start3A_79 = tpu.memref_slice %arg7[%rem3A_67] : memref<6x!tpu.dma_semaphore, #tpu.memory_space<semaphore_mem>> -> memref<1x!tpu.dma_semaphore, #tpu.memory_space<semaphore_mem>>
    %dma_start3A_80 = tpu.memref_squeeze %dma_start3A_79 : memref<1x!tpu.dma_semaphore, #tpu.memory_space<semaphore_mem>> -> memref<!tpu.dma_semaphore, #tpu.memory_space<semaphore_mem>>
    tpu.enqueue_indirect_dma source(%dma_start3A_78 : memref<1000000x64xf32, #tpu.memory_space<hbm>>) target(%dma_start3A_72 : memref<128x64xf32, #tpu.memory_space<vmem>>) offsets(%dma_start3A_75 : memref<128xi32, #tpu.memory_space<vmem>>) semaphore(%dma_start3A_80 : memref<!tpu.dma_semaphore, #tpu.memory_space<semaphore_mem>>)
    %scan3A = arith.constant 0 : i32
    %scan3A_81 = arith.constant 0 : i32
    %scan3A_82 = arith.constant 50 : i32
    %scan3A_83 = arith.addi %scan3A_81, %scan3A_82 : i32
    %scan3A_84 = arith.constant 1 : i32
    %scan3A_85 = scf.for %scan3A_200 = %scan3A_81 to %scan3A_83 step %scan3A_84 iter_args(%scan3A_201 = %scan3A) -> (i32)  : i32 {
      %add3A_202 = arith.constant 6 : i32
      %add3A_203 = arith.addi %scan3A_200, %add3A_202 : i32
      %sub3A = arith.constant 1 : i32
      %sub3A_204 = arith.subi %add3A_203, %sub3A : i32
      %lt3A = arith.constant 50 : i32
      %lt3A_205 = arith.cmpi slt, %sub3A_204, %lt3A : i32
      %gt3A = arith.constant 0 : i32
      %gt3A_206 = arith.cmpi sgt, %scan3A_200, %gt3A : i32
      %and3A = arith.andi %lt3A_205, %gt3A_206 : i1
      %convert_element_type3A = arith.extui %and3A : i1 to i32
      %cond3A = arith.constant 0 : i32
      %cond3A_207 = arith.cmpi ne, %convert_element_type3A, %cond3A : i32
      scf.if %cond3A_207 {
        %sub3A_247 = arith.constant 1 : i32
        %sub3A_248 = arith.subi %scan3A_200, %sub3A_247 : i32
        %rem3A_249 = arith.constant 6 : i32
        %rem3A_250 = arith.remsi %sub3A_248, %rem3A_249 : i32
        %mul3A_251 = arith.constant 128 : i32
        %mul3A_252 = arith.muli %sub3A_248, %mul3A_251 : i32
        %add3A_253 = arith.addi %mul3A_2, %mul3A_252 : i32
        %dma_wait3A_254 = arith.constant 0 : i32
        %dma_wait3A_255 = arith.constant 0 : i32
        %dma_wait3A_256 = tpu.memref_slice %arg6[%rem3A_250, %dma_wait3A_254, %dma_wait3A_255] : memref<6x128x64xf32, #tpu.memory_space<vmem>> -> memref<1x128x64xf32, #tpu.memory_space<vmem>>
        %dma_wait3A_257 = tpu.memref_squeeze %dma_wait3A_256 : memref<1x128x64xf32, #tpu.memory_space<vmem>> -> memref<128x64xf32, #tpu.memory_space<vmem>>
        %dma_wait3A_258 = arith.constant 0 : i32
        %dma_wait3A_259 = tpu.memref_slice %arg4[%add3A_253, %dma_wait3A_258] : memref<204800x64xf32, #tpu.memory_space<hbm>> -> memref<128x64xf32, #tpu.memory_space<hbm>>
        %dma_wait3A_260 = tpu.memref_slice %arg8[%rem3A_250] : memref<6x!tpu.dma_semaphore, #tpu.memory_space<semaphore_mem>> -> memref<1x!tpu.dma_semaphore, #tpu.memory_space<semaphore_mem>>
        %dma_wait3A_261 = tpu.memref_squeeze %dma_wait3A_260 : memref<1x!tpu.dma_semaphore, #tpu.memory_space<semaphore_mem>> -> memref<!tpu.dma_semaphore, #tpu.memory_space<semaphore_mem>>
        %dma_wait3A_262 = arith.constant 0 : i32
        %dma_wait3A_263 = tpu.memref_slice %arg4[%add3A_253, %dma_wait3A_262] : memref<204800x64xf32, #tpu.memory_space<hbm>> -> memref<128x64xf32, #tpu.memory_space<hbm>>
        %dma_wait3A_264 = arith.constant 0 : i32
        %dma_wait3A_265 = arith.constant 0 : i32
        %dma_wait3A_266 = tpu.memref_slice %arg6[%rem3A_250, %dma_wait3A_264, %dma_wait3A_265] : memref<6x128x64xf32, #tpu.memory_space<vmem>> -> memref<1x128x64xf32, #tpu.memory_space<vmem>>
        %dma_wait3A_267 = tpu.memref_squeeze %dma_wait3A_266 : memref<1x128x64xf32, #tpu.memory_space<vmem>> -> memref<128x64xf32, #tpu.memory_space<vmem>>
        tpu.wait_dma2 semaphore(%dma_wait3A_261 : memref<!tpu.dma_semaphore, #tpu.memory_space<semaphore_mem>>) src(%dma_wait3A_267 : memref<128x64xf32, #tpu.memory_space<vmem>>) dst(%dma_wait3A_263 : memref<128x64xf32, #tpu.memory_space<hbm>>)
      } else {
      }
      %lt3A_208 = arith.constant 50 : i32
      %lt3A_209 = arith.cmpi slt, %sub3A_204, %lt3A_208 : i32
      %convert_element_type3A_210 = arith.extui %lt3A_209 : i1 to i32
      %cond3A_211 = arith.constant 0 : i32
      %cond3A_212 = arith.cmpi ne, %convert_element_type3A_210, %cond3A_211 : i32
      scf.if %cond3A_212 {
        %rem3A_247 = arith.constant 6 : i32
        %rem3A_248 = arith.remsi %sub3A_204, %rem3A_247 : i32
        %dma_start3A_249 = arith.constant 0 : i32
        %dma_start3A_250 = arith.constant 0 : i32
        %dma_start3A_251 = tpu.memref_slice %arg6[%rem3A_248, %dma_start3A_249, %dma_start3A_250] : memref<6x128x64xf32, #tpu.memory_space<vmem>> -> memref<1x128x64xf32, #tpu.memory_space<vmem>>
        %dma_start3A_252 = tpu.memref_squeeze %dma_start3A_251 : memref<1x128x64xf32, #tpu.memory_space<vmem>> -> memref<128x64xf32, #tpu.memory_space<vmem>>
        %dma_start3A_253 = arith.constant 0 : i32
        %dma_start3A_254 = tpu.memref_slice %arg5[%sub3A_204, %dma_start3A_253] : memref<50x128xi32, #tpu.memory_space<vmem>> -> memref<1x128xi32, #tpu.memory_space<vmem>>
        %dma_start3A_255 = tpu.memref_squeeze %dma_start3A_254 : memref<1x128xi32, #tpu.memory_space<vmem>> -> memref<128xi32, #tpu.memory_space<vmem>>
        %dma_start3A_256 = arith.constant 0 : i32
        %dma_start3A_257 = arith.constant 0 : i32
        %dma_start3A_258 = tpu.memref_slice %arg3[%dma_start3A_256, %dma_start3A_257] : memref<1000000x64xf32, #tpu.memory_space<hbm>> -> memref<1000000x64xf32, #tpu.memory_space<hbm>>
        %dma_start3A_259 = tpu.memref_slice %arg7[%rem3A_248] : memref<6x!tpu.dma_semaphore, #tpu.memory_space<semaphore_mem>> -> memref<1x!tpu.dma_semaphore, #tpu.memory_space<semaphore_mem>>
        %dma_start3A_260 = tpu.memref_squeeze %dma_start3A_259 : memref<1x!tpu.dma_semaphore, #tpu.memory_space<semaphore_mem>> -> memref<!tpu.dma_semaphore, #tpu.memory_space<semaphore_mem>>
        tpu.enqueue_indirect_dma source(%dma_start3A_258 : memref<1000000x64xf32, #tpu.memory_space<hbm>>) target(%dma_start3A_252 : memref<128x64xf32, #tpu.memory_space<vmem>>) offsets(%dma_start3A_255 : memref<128xi32, #tpu.memory_space<vmem>>) semaphore(%dma_start3A_260 : memref<!tpu.dma_semaphore, #tpu.memory_space<semaphore_mem>>)
      } else {
      }
      %rem3A_213 = arith.constant 6 : i32
      %rem3A_214 = arith.remsi %scan3A_200, %rem3A_213 : i32
      %dma_wait3A_215 = arith.constant 0 : i32
      %dma_wait3A_216 = arith.constant 0 : i32
      %dma_wait3A_217 = tpu.memref_slice %arg6[%rem3A_214, %dma_wait3A_215, %dma_wait3A_216] : memref<6x128x64xf32, #tpu.memory_space<vmem>> -> memref<1x128x64xf32, #tpu.memory_space<vmem>>
      %dma_wait3A_218 = tpu.memref_squeeze %dma_wait3A_217 : memref<1x128x64xf32, #tpu.memory_space<vmem>> -> memref<128x64xf32, #tpu.memory_space<vmem>>
      %dma_wait3A_219 = arith.constant 0 : i32
      %dma_wait3A_220 = tpu.memref_slice %arg5[%scan3A_200, %dma_wait3A_219] : memref<50x128xi32, #tpu.memory_space<vmem>> -> memref<1x128xi32, #tpu.memory_space<vmem>>
      %dma_wait3A_221 = tpu.memref_squeeze %dma_wait3A_220 : memref<1x128xi32, #tpu.memory_space<vmem>> -> memref<128xi32, #tpu.memory_space<vmem>>
      %dma_wait3A_222 = arith.constant 0 : i32
      %dma_wait3A_223 = arith.constant 0 : i32
      %dma_wait3A_224 = tpu.memref_slice %arg3[%dma_wait3A_222, %dma_wait3A_223] : memref<1000000x64xf32, #tpu.memory_space<hbm>> -> memref<1000000x64xf32, #tpu.memory_space<hbm>>
      %dma_wait3A_225 = tpu.memref_slice %arg7[%rem3A_214] : memref<6x!tpu.dma_semaphore, #tpu.memory_space<semaphore_mem>> -> memref<1x!tpu.dma_semaphore, #tpu.memory_space<semaphore_mem>>
      %dma_wait3A_226 = tpu.memref_squeeze %dma_wait3A_225 : memref<1x!tpu.dma_semaphore, #tpu.memory_space<semaphore_mem>> -> memref<!tpu.dma_semaphore, #tpu.memory_space<semaphore_mem>>
      tpu.wait_indirect_dma semaphore(%dma_wait3A_226 : memref<!tpu.dma_semaphore, #tpu.memory_space<semaphore_mem>>) src(%dma_wait3A_224 : memref<1000000x64xf32, #tpu.memory_space<hbm>>) dst(%dma_wait3A_218 : memref<128x64xf32, #tpu.memory_space<vmem>>)
      %rem3A_227 = arith.constant 6 : i32
      %rem3A_228 = arith.remsi %scan3A_200, %rem3A_227 : i32
      %mul3A_229 = arith.constant 128 : i32
      %mul3A_230 = arith.muli %scan3A_200, %mul3A_229 : i32
      %add3A_231 = arith.addi %mul3A_2, %mul3A_230 : i32
      %dma_start3A_232 = arith.constant 0 : i32
      %dma_start3A_233 = arith.constant 0 : i32
      %dma_start3A_234 = tpu.memref_slice %arg6[%rem3A_228, %dma_start3A_232, %dma_start3A_233] : memref<6x128x64xf32, #tpu.memory_space<vmem>> -> memref<1x128x64xf32, #tpu.memory_space<vmem>>
      %dma_start3A_235 = tpu.memref_squeeze %dma_start3A_234 : memref<1x128x64xf32, #tpu.memory_space<vmem>> -> memref<128x64xf32, #tpu.memory_space<vmem>>
      %dma_start3A_236 = arith.constant 0 : i32
      %dma_start3A_237 = tpu.memref_slice %arg4[%add3A_231, %dma_start3A_236] : memref<204800x64xf32, #tpu.memory_space<hbm>> -> memref<128x64xf32, #tpu.memory_space<hbm>>
      %dma_start3A_238 = tpu.memref_slice %arg8[%rem3A_228] : memref<6x!tpu.dma_semaphore, #tpu.memory_space<semaphore_mem>> -> memref<1x!tpu.dma_semaphore, #tpu.memory_space<semaphore_mem>>
      %dma_start3A_239 = tpu.memref_squeeze %dma_start3A_238 : memref<1x!tpu.dma_semaphore, #tpu.memory_space<semaphore_mem>> -> memref<!tpu.dma_semaphore, #tpu.memory_space<semaphore_mem>>
      %dma_start3A_240 = arith.constant 0 : i32
      %dma_start3A_241 = tpu.memref_slice %arg4[%add3A_231, %dma_start3A_240] : memref<204800x64xf32, #tpu.memory_space<hbm>> -> memref<128x64xf32, #tpu.memory_space<hbm>>
      %dma_start3A_242 = arith.constant 0 : i32
      %dma_start3A_243 = arith.constant 0 : i32
      %dma_start3A_244 = tpu.memref_slice %arg6[%rem3A_228, %dma_start3A_242, %dma_start3A_243] : memref<6x128x64xf32, #tpu.memory_space<vmem>> -> memref<1x128x64xf32, #tpu.memory_space<vmem>>
      %dma_start3A_245 = tpu.memref_squeeze %dma_start3A_244 : memref<1x128x64xf32, #tpu.memory_space<vmem>> -> memref<128x64xf32, #tpu.memory_space<vmem>>
      tpu.enqueue_dma source(%dma_start3A_245 : memref<128x64xf32, #tpu.memory_space<vmem>>) target(%dma_start3A_241 : memref<128x64xf32, #tpu.memory_space<hbm>>) target_semaphore(%dma_start3A_239 : memref<!tpu.dma_semaphore, #tpu.memory_space<semaphore_mem>>)
      %scan3A_246 = arith.constant 0 : i32
      scf.yield %scan3A_246 : i32
    }
    %scan3A_86 = arith.constant 50 : i32
    %rem3A_87 = arith.constant 44 : i32
    %rem3A_88 = arith.constant 6 : i32
    %rem3A_89 = arith.remsi %rem3A_87, %rem3A_88 : i32
    %add3A_90 = arith.constant 5632 : i32
    %add3A_91 = arith.addi %mul3A_2, %add3A_90 : i32
    %dma_wait3A = arith.constant 0 : i32
    %dma_wait3A_92 = arith.constant 0 : i32
    %dma_wait3A_93 = tpu.memref_slice %arg6[%rem3A_89, %dma_wait3A, %dma_wait3A_92] : memref<6x128x64xf32, #tpu.memory_space<vmem>> -> memref<1x128x64xf32, #tpu.memory_space<vmem>>
    %dma_wait3A_94 = tpu.memref_squeeze %dma_wait3A_93 : memref<1x128x64xf32, #tpu.memory_space<vmem>> -> memref<128x64xf32, #tpu.memory_space<vmem>>
    %dma_wait3A_95 = arith.constant 0 : i32
    %dma_wait3A_96 = tpu.memref_slice %arg4[%add3A_91, %dma_wait3A_95] : memref<204800x64xf32, #tpu.memory_space<hbm>> -> memref<128x64xf32, #tpu.memory_space<hbm>>
    %dma_wait3A_97 = tpu.memref_slice %arg8[%rem3A_89] : memref<6x!tpu.dma_semaphore, #tpu.memory_space<semaphore_mem>> -> memref<1x!tpu.dma_semaphore, #tpu.memory_space<semaphore_mem>>
    %dma_wait3A_98 = tpu.memref_squeeze %dma_wait3A_97 : memref<1x!tpu.dma_semaphore, #tpu.memory_space<semaphore_mem>> -> memref<!tpu.dma_semaphore, #tpu.memory_space<semaphore_mem>>
    %dma_wait3A_99 = arith.constant 0 : i32
    %dma_wait3A_100 = tpu.memref_slice %arg4[%add3A_91, %dma_wait3A_99] : memref<204800x64xf32, #tpu.memory_space<hbm>> -> memref<128x64xf32, #tpu.memory_space<hbm>>
    %dma_wait3A_101 = arith.constant 0 : i32
    %dma_wait3A_102 = arith.constant 0 : i32
    %dma_wait3A_103 = tpu.memref_slice %arg6[%rem3A_89, %dma_wait3A_101, %dma_wait3A_102] : memref<6x128x64xf32, #tpu.memory_space<vmem>> -> memref<1x128x64xf32, #tpu.memory_space<vmem>>
    %dma_wait3A_104 = tpu.memref_squeeze %dma_wait3A_103 : memref<1x128x64xf32, #tpu.memory_space<vmem>> -> memref<128x64xf32, #tpu.memory_space<vmem>>
    tpu.wait_dma2 semaphore(%dma_wait3A_98 : memref<!tpu.dma_semaphore, #tpu.memory_space<semaphore_mem>>) src(%dma_wait3A_104 : memref<128x64xf32, #tpu.memory_space<vmem>>) dst(%dma_wait3A_100 : memref<128x64xf32, #tpu.memory_space<hbm>>)
    %rem3A_105 = arith.constant 45 : i32
    %rem3A_106 = arith.constant 6 : i32
    %rem3A_107 = arith.remsi %rem3A_105, %rem3A_106 : i32
    %add3A_108 = arith.constant 5760 : i32
    %add3A_109 = arith.addi %mul3A_2, %add3A_108 : i32
    %dma_wait3A_110 = arith.constant 0 : i32
    %dma_wait3A_111 = arith.constant 0 : i32
    %dma_wait3A_112 = tpu.memref_slice %arg6[%rem3A_107, %dma_wait3A_110, %dma_wait3A_111] : memref<6x128x64xf32, #tpu.memory_space<vmem>> -> memref<1x128x64xf32, #tpu.memory_space<vmem>>
    %dma_wait3A_113 = tpu.memref_squeeze %dma_wait3A_112 : memref<1x128x64xf32, #tpu.memory_space<vmem>> -> memref<128x64xf32, #tpu.memory_space<vmem>>
    %dma_wait3A_114 = arith.constant 0 : i32
    %dma_wait3A_115 = tpu.memref_slice %arg4[%add3A_109, %dma_wait3A_114] : memref<204800x64xf32, #tpu.memory_space<hbm>> -> memref<128x64xf32, #tpu.memory_space<hbm>>
    %dma_wait3A_116 = tpu.memref_slice %arg8[%rem3A_107] : memref<6x!tpu.dma_semaphore, #tpu.memory_space<semaphore_mem>> -> memref<1x!tpu.dma_semaphore, #tpu.memory_space<semaphore_mem>>
    %dma_wait3A_117 = tpu.memref_squeeze %dma_wait3A_116 : memref<1x!tpu.dma_semaphore, #tpu.memory_space<semaphore_mem>> -> memref<!tpu.dma_semaphore, #tpu.memory_space<semaphore_mem>>
    %dma_wait3A_118 = arith.constant 0 : i32
    %dma_wait3A_119 = tpu.memref_slice %arg4[%add3A_109, %dma_wait3A_118] : memref<204800x64xf32, #tpu.memory_space<hbm>> -> memref<128x64xf32, #tpu.memory_space<hbm>>
    %dma_wait3A_120 = arith.constant 0 : i32
    %dma_wait3A_121 = arith.constant 0 : i32
    %dma_wait3A_122 = tpu.memref_slice %arg6[%rem3A_107, %dma_wait3A_120, %dma_wait3A_121] : memref<6x128x64xf32, #tpu.memory_space<vmem>> -> memref<1x128x64xf32, #tpu.memory_space<vmem>>
    %dma_wait3A_123 = tpu.memref_squeeze %dma_wait3A_122 : memref<1x128x64xf32, #tpu.memory_space<vmem>> -> memref<128x64xf32, #tpu.memory_space<vmem>>
    tpu.wait_dma2 semaphore(%dma_wait3A_117 : memref<!tpu.dma_semaphore, #tpu.memory_space<semaphore_mem>>) src(%dma_wait3A_123 : memref<128x64xf32, #tpu.memory_space<vmem>>) dst(%dma_wait3A_119 : memref<128x64xf32, #tpu.memory_space<hbm>>)
    %rem3A_124 = arith.constant 46 : i32
    %rem3A_125 = arith.constant 6 : i32
    %rem3A_126 = arith.remsi %rem3A_124, %rem3A_125 : i32
    %add3A_127 = arith.constant 5888 : i32
    %add3A_128 = arith.addi %mul3A_2, %add3A_127 : i32
    %dma_wait3A_129 = arith.constant 0 : i32
    %dma_wait3A_130 = arith.constant 0 : i32
    %dma_wait3A_131 = tpu.memref_slice %arg6[%rem3A_126, %dma_wait3A_129, %dma_wait3A_130] : memref<6x128x64xf32, #tpu.memory_space<vmem>> -> memref<1x128x64xf32, #tpu.memory_space<vmem>>
    %dma_wait3A_132 = tpu.memref_squeeze %dma_wait3A_131 : memref<1x128x64xf32, #tpu.memory_space<vmem>> -> memref<128x64xf32, #tpu.memory_space<vmem>>
    %dma_wait3A_133 = arith.constant 0 : i32
    %dma_wait3A_134 = tpu.memref_slice %arg4[%add3A_128, %dma_wait3A_133] : memref<204800x64xf32, #tpu.memory_space<hbm>> -> memref<128x64xf32, #tpu.memory_space<hbm>>
    %dma_wait3A_135 = tpu.memref_slice %arg8[%rem3A_126] : memref<6x!tpu.dma_semaphore, #tpu.memory_space<semaphore_mem>> -> memref<1x!tpu.dma_semaphore, #tpu.memory_space<semaphore_mem>>
    %dma_wait3A_136 = tpu.memref_squeeze %dma_wait3A_135 : memref<1x!tpu.dma_semaphore, #tpu.memory_space<semaphore_mem>> -> memref<!tpu.dma_semaphore, #tpu.memory_space<semaphore_mem>>
    %dma_wait3A_137 = arith.constant 0 : i32
    %dma_wait3A_138 = tpu.memref_slice %arg4[%add3A_128, %dma_wait3A_137] : memref<204800x64xf32, #tpu.memory_space<hbm>> -> memref<128x64xf32, #tpu.memory_space<hbm>>
    %dma_wait3A_139 = arith.constant 0 : i32
    %dma_wait3A_140 = arith.constant 0 : i32
    %dma_wait3A_141 = tpu.memref_slice %arg6[%rem3A_126, %dma_wait3A_139, %dma_wait3A_140] : memref<6x128x64xf32, #tpu.memory_space<vmem>> -> memref<1x128x64xf32, #tpu.memory_space<vmem>>
    %dma_wait3A_142 = tpu.memref_squeeze %dma_wait3A_141 : memref<1x128x64xf32, #tpu.memory_space<vmem>> -> memref<128x64xf32, #tpu.memory_space<vmem>>
    tpu.wait_dma2 semaphore(%dma_wait3A_136 : memref<!tpu.dma_semaphore, #tpu.memory_space<semaphore_mem>>) src(%dma_wait3A_142 : memref<128x64xf32, #tpu.memory_space<vmem>>) dst(%dma_wait3A_138 : memref<128x64xf32, #tpu.memory_space<hbm>>)
    %rem3A_143 = arith.constant 47 : i32
    %rem3A_144 = arith.constant 6 : i32
    %rem3A_145 = arith.remsi %rem3A_143, %rem3A_144 : i32
    %add3A_146 = arith.constant 6016 : i32
    %add3A_147 = arith.addi %mul3A_2, %add3A_146 : i32
    %dma_wait3A_148 = arith.constant 0 : i32
    %dma_wait3A_149 = arith.constant 0 : i32
    %dma_wait3A_150 = tpu.memref_slice %arg6[%rem3A_145, %dma_wait3A_148, %dma_wait3A_149] : memref<6x128x64xf32, #tpu.memory_space<vmem>> -> memref<1x128x64xf32, #tpu.memory_space<vmem>>
    %dma_wait3A_151 = tpu.memref_squeeze %dma_wait3A_150 : memref<1x128x64xf32, #tpu.memory_space<vmem>> -> memref<128x64xf32, #tpu.memory_space<vmem>>
    %dma_wait3A_152 = arith.constant 0 : i32
    %dma_wait3A_153 = tpu.memref_slice %arg4[%add3A_147, %dma_wait3A_152] : memref<204800x64xf32, #tpu.memory_space<hbm>> -> memref<128x64xf32, #tpu.memory_space<hbm>>
    %dma_wait3A_154 = tpu.memref_slice %arg8[%rem3A_145] : memref<6x!tpu.dma_semaphore, #tpu.memory_space<semaphore_mem>> -> memref<1x!tpu.dma_semaphore, #tpu.memory_space<semaphore_mem>>
    %dma_wait3A_155 = tpu.memref_squeeze %dma_wait3A_154 : memref<1x!tpu.dma_semaphore, #tpu.memory_space<semaphore_mem>> -> memref<!tpu.dma_semaphore, #tpu.memory_space<semaphore_mem>>
    %dma_wait3A_156 = arith.constant 0 : i32
    %dma_wait3A_157 = tpu.memref_slice %arg4[%add3A_147, %dma_wait3A_156] : memref<204800x64xf32, #tpu.memory_space<hbm>> -> memref<128x64xf32, #tpu.memory_space<hbm>>
    %dma_wait3A_158 = arith.constant 0 : i32
    %dma_wait3A_159 = arith.constant 0 : i32
    %dma_wait3A_160 = tpu.memref_slice %arg6[%rem3A_145, %dma_wait3A_158, %dma_wait3A_159] : memref<6x128x64xf32, #tpu.memory_space<vmem>> -> memref<1x128x64xf32, #tpu.memory_space<vmem>>
    %dma_wait3A_161 = tpu.memref_squeeze %dma_wait3A_160 : memref<1x128x64xf32, #tpu.memory_space<vmem>> -> memref<128x64xf32, #tpu.memory_space<vmem>>
    tpu.wait_dma2 semaphore(%dma_wait3A_155 : memref<!tpu.dma_semaphore, #tpu.memory_space<semaphore_mem>>) src(%dma_wait3A_161 : memref<128x64xf32, #tpu.memory_space<vmem>>) dst(%dma_wait3A_157 : memref<128x64xf32, #tpu.memory_space<hbm>>)
    %rem3A_162 = arith.constant 48 : i32
    %rem3A_163 = arith.constant 6 : i32
    %rem3A_164 = arith.remsi %rem3A_162, %rem3A_163 : i32
    %add3A_165 = arith.constant 6144 : i32
    %add3A_166 = arith.addi %mul3A_2, %add3A_165 : i32
    %dma_wait3A_167 = arith.constant 0 : i32
    %dma_wait3A_168 = arith.constant 0 : i32
    %dma_wait3A_169 = tpu.memref_slice %arg6[%rem3A_164, %dma_wait3A_167, %dma_wait3A_168] : memref<6x128x64xf32, #tpu.memory_space<vmem>> -> memref<1x128x64xf32, #tpu.memory_space<vmem>>
    %dma_wait3A_170 = tpu.memref_squeeze %dma_wait3A_169 : memref<1x128x64xf32, #tpu.memory_space<vmem>> -> memref<128x64xf32, #tpu.memory_space<vmem>>
    %dma_wait3A_171 = arith.constant 0 : i32
    %dma_wait3A_172 = tpu.memref_slice %arg4[%add3A_166, %dma_wait3A_171] : memref<204800x64xf32, #tpu.memory_space<hbm>> -> memref<128x64xf32, #tpu.memory_space<hbm>>
    %dma_wait3A_173 = tpu.memref_slice %arg8[%rem3A_164] : memref<6x!tpu.dma_semaphore, #tpu.memory_space<semaphore_mem>> -> memref<1x!tpu.dma_semaphore, #tpu.memory_space<semaphore_mem>>
    %dma_wait3A_174 = tpu.memref_squeeze %dma_wait3A_173 : memref<1x!tpu.dma_semaphore, #tpu.memory_space<semaphore_mem>> -> memref<!tpu.dma_semaphore, #tpu.memory_space<semaphore_mem>>
    %dma_wait3A_175 = arith.constant 0 : i32
    %dma_wait3A_176 = tpu.memref_slice %arg4[%add3A_166, %dma_wait3A_175] : memref<204800x64xf32, #tpu.memory_space<hbm>> -> memref<128x64xf32, #tpu.memory_space<hbm>>
    %dma_wait3A_177 = arith.constant 0 : i32
    %dma_wait3A_178 = arith.constant 0 : i32
    %dma_wait3A_179 = tpu.memref_slice %arg6[%rem3A_164, %dma_wait3A_177, %dma_wait3A_178] : memref<6x128x64xf32, #tpu.memory_space<vmem>> -> memref<1x128x64xf32, #tpu.memory_space<vmem>>
    %dma_wait3A_180 = tpu.memref_squeeze %dma_wait3A_179 : memref<1x128x64xf32, #tpu.memory_space<vmem>> -> memref<128x64xf32, #tpu.memory_space<vmem>>
    tpu.wait_dma2 semaphore(%dma_wait3A_174 : memref<!tpu.dma_semaphore, #tpu.memory_space<semaphore_mem>>) src(%dma_wait3A_180 : memref<128x64xf32, #tpu.memory_space<vmem>>) dst(%dma_wait3A_176 : memref<128x64xf32, #tpu.memory_space<hbm>>)
    %rem3A_181 = arith.constant 49 : i32
    %rem3A_182 = arith.constant 6 : i32
    %rem3A_183 = arith.remsi %rem3A_181, %rem3A_182 : i32
    %add3A_184 = arith.constant 6272 : i32
    %add3A_185 = arith.addi %mul3A_2, %add3A_184 : i32
    %dma_wait3A_186 = arith.constant 0 : i32
    %dma_wait3A_187 = arith.constant 0 : i32
    %dma_wait3A_188 = tpu.memref_slice %arg6[%rem3A_183, %dma_wait3A_186, %dma_wait3A_187] : memref<6x128x64xf32, #tpu.memory_space<vmem>> -> memref<1x128x64xf32, #tpu.memory_space<vmem>>
    %dma_wait3A_189 = tpu.memref_squeeze %dma_wait3A_188 : memref<1x128x64xf32, #tpu.memory_space<vmem>> -> memref<128x64xf32, #tpu.memory_space<vmem>>
    %dma_wait3A_190 = arith.constant 0 : i32
    %dma_wait3A_191 = tpu.memref_slice %arg4[%add3A_185, %dma_wait3A_190] : memref<204800x64xf32, #tpu.memory_space<hbm>> -> memref<128x64xf32, #tpu.memory_space<hbm>>
    %dma_wait3A_192 = tpu.memref_slice %arg8[%rem3A_183] : memref<6x!tpu.dma_semaphore, #tpu.memory_space<semaphore_mem>> -> memref<1x!tpu.dma_semaphore, #tpu.memory_space<semaphore_mem>>
    %dma_wait3A_193 = tpu.memref_squeeze %dma_wait3A_192 : memref<1x!tpu.dma_semaphore, #tpu.memory_space<semaphore_mem>> -> memref<!tpu.dma_semaphore, #tpu.memory_space<semaphore_mem>>
    %dma_wait3A_194 = arith.constant 0 : i32
    %dma_wait3A_195 = tpu.memref_slice %arg4[%add3A_185, %dma_wait3A_194] : memref<204800x64xf32, #tpu.memory_space<hbm>> -> memref<128x64xf32, #tpu.memory_space<hbm>>
    %dma_wait3A_196 = arith.constant 0 : i32
    %dma_wait3A_197 = arith.constant 0 : i32
    %dma_wait3A_198 = tpu.memref_slice %arg6[%rem3A_183, %dma_wait3A_196, %dma_wait3A_197] : memref<6x128x64xf32, #tpu.memory_space<vmem>> -> memref<1x128x64xf32, #tpu.memory_space<vmem>>
    %dma_wait3A_199 = tpu.memref_squeeze %dma_wait3A_198 : memref<1x128x64xf32, #tpu.memory_space<vmem>> -> memref<128x64xf32, #tpu.memory_space<vmem>>
    tpu.wait_dma2 semaphore(%dma_wait3A_193 : memref<!tpu.dma_semaphore, #tpu.memory_space<semaphore_mem>>) src(%dma_wait3A_199 : memref<128x64xf32, #tpu.memory_space<vmem>>) dst(%dma_wait3A_195 : memref<128x64xf32, #tpu.memory_space<hbm>>)
    return
  }
}

</mosaic_0001>

<sc_bundles>
// kernel: kernel.3.cloned.1.call-start
scs
__scs_entry_jumppad:
0x0: {  	(pc) =	sbr.rel $0x88, $3  }
0x1: {  	(tag) =	ssettag $0x0;
	lr =	simm.s32 $0x1  }
0x2: {  	[smem:$0x3F9F] =	sst lr;
	_ =	strace $0xD0000000  }
0x3: {  	_ = 	snop  }
0x4: {  	_ = 	snop  }
0x5: {  	_ = 	snop  }
0x6: {  	_ = 	snop  }
0x7: {  	_ = 	snop  }
__scs_overlays_trampoline_lowered:
0x8: {  	[smem:$0x3FAE] =	sst s0  }
0x9: {  	[smem:$0x3FAF] =	sst s1  }
0xa: {  	[smem:$0x3FB0] =	sst s2  }
0xb: {  	[smem:$0x3FB1] =	sst s3  }
0xc: {  	[smem:$0x3FB2] =	sst s4  }
0xd: {  	[smem:$0x3FB3] =	sst s5  }
0xe: {  	[smem:$0x3FB4] =	sst s6  }
0xf: {  	[smem:$0x3FB5] =	sst s7  }
0x10: {  	[smem:$0x3FB6] =	sst s8  }
0x11: {  	[smem:$0x3FB7] =	sst s9;
	s0 =	simm.s32 @!p0 $0x0  }
0x12: {  	s1 =	sld [smem:$0x3F9D];
	s0 =	simm.s32 @p0 $0x1  }
0x13: {  	[smem:$0x3FB8] =	sst s0;
	s0 =	simm.s32 @!p1 $0x0  }
0x14: {  	s2 =	sld [smem:$0x3F9C];
	s0 =	simm.s32 @p1 $0x1  }
0x15: {  	[smem:$0x3FB9] =	sst s0;
	s0 =	simm.s32 @!p2 $0x0  }
0x16: {  	s3 =	sld [smem:$0x3FDB];
	s0 =	simm.s32 @p2 $0x1  }
0x17: {  	s4 =	simm.s32 $0x1BF5;
	[smem:$0x3FBB] =	sst s0  }
0x18: {  	s0 =	sld [smem:$0x3F9E];
	_ =	swait.ge [sflag:s4], $0x0  }
0x19: {  	s7 =	sld [smem:$0x3F9F]  }
0x1a: {  	s8 =	sadd.s32 $0xFFFFE003, lr  }
0x1b: {  	s9 =	sadd.s32 $0xFFFFFEF7, lr;
	s5 =	simm.s32 $0xFFFFFFFF;
	p2 =	slt.u32 s8, $0xFFFFF086  }
0x1c: {  	p1 =	slt.u32 s9, $0xF7A;
	s5 =	simm.s32 @!p2 $0x0  }
0x1d: {  	s5 =	simm.s32 @p1 $0x1;
	p0 =	seq.s32 s7, s2  }
0x1e: {  	s7 =	smul.u32 @!p0 $0xF7A, s2;
	p2 =	seq.s32 @!p0 s5, $0x0  }
0x1f: {  	s9 =	smul.u32 $0xF7A, s1;
	s8 =	simm.s32 @!p0 $0x1BF5;
	p2 =	por !p2, p0  }
0x20: {  	[sflag:s8] =	ssyncset.s32 @!p0 $0xFFFFF086;
	s6 =	sadd.s32 @!p0 s3, s7;
	s7 =	simm.s32 @!p0 $0x108  }
0x21: {  	s3 =	sadd.s32 s3, s9;
	s6 =	sadd.s32 @!p0 $0x88, s6;
	s7 =	simm.s32 @p2 $0x1082  }
0x22: {  	[simem:s7], [sflag:s8] =	dma.local @!p0 [hbm:s6], $0xF7A  }
0x23: {  	s9 =	sor.u32 $0xD0000000, s2;
	s6 =	simm.s32 $0x108;
	_ =	swait.ge @!p0 [sflag:s8], $0x0  }
0x24: {  	s3 =	sadd.s32 $0x88, s3;
	s6 =	simm.s32 @!p1 $0x1082;
	[sflag:s4] =	ssyncset.s32 $0xFFFFF086  }
0x25: {  	[simem:s6], [sflag:s4] =	dma.local [hbm:s3], $0xF7A  }
0x26: {  	[smem:$0x3F9F] =	sst s1;
	(tag) =	ssettag s2;
	_ =	strace s9  }
0x27: {  	s1 =	sld [smem:$0x3FAF]  }
0x28: {  	s2 =	sld [smem:$0x3FB0]  }
0x29: {  	s4 =	sld [smem:$0x3FB2]  }
0x2a: {  	p0 =	seq.s32 s5, $0x0;
	s5 =	sld [smem:$0x3FB3]  }
0x2b: {  	s6 =	sld [smem:$0x3FB4]  }
0x2c: {  	s7 =	sld [smem:$0x3FB5]  }
0x2d: {  	s3 =	simm.s32 $0x108;
	s8 =	sld [smem:$0x3FB6]  }
0x2e: {  	s3 =	simm.s32 @!p0 $0x1082;
	s9 =	sld [smem:$0x3FB7]  }
0x2f: {  	lr =	sadd.s32 s0, s3;
	s0 =	sld [smem:$0x3FAE]  }
0x30: {  	s3 =	sld [smem:$0x3FB1]  }
0x31: {  	[smem:$0x3FBA] =	sst s10  }
0x32: {  	s10 =	sld [smem:$0x3FB8];
	_ =	sdelay $0x3  }
0x33: {  	p0 =	seq.s32 s10, $0x1;
	s10 =	sld [smem:$0x3FBA];
	_ =	sdelay $0x3  }
0x34: {  	[smem:$0x3FBA] =	sst s10  }
0x35: {  	s10 =	sld [smem:$0x3FB9];
	_ =	sdelay $0x3  }
0x36: {  	p1 =	seq.s32 s10, $0x1;
	s10 =	sld [smem:$0x3FBA];
	_ =	sdelay $0x3  }
0x37: {  	[smem:$0x3FBA] =	sst s10  }
0x38: {  	s10 =	sld [smem:$0x3FBB]  }
0x39: {  	_ = 	snop;
	(pc) =	sbr.ind lr, $3  }
0x3a: {  	_ = 	snop  }
0x3b: {  	_ = 	snop  }
0x3c: {  	p2 =	seq.s32 s10, $0x1;
	s10 =	sld [smem:$0x3FBA]  }
0x3d: {  	_ =	shalt  }
0x3e: {  	_ =	shalt  }
0x3f: {  	_ =	shalt  }
0x40: {  	_ =	shalt  }
0x41: {  	_ =	shalt  }
0x42: {  	_ =	shalt  }
0x43: {  	_ =	shalt  }
0x44: {  	_ =	shalt  }
0x45: {  	_ =	shalt  }
0x46: {  	_ =	shalt  }
0x47: {  	_ =	shalt  }
0x48: {  	_ =	shalt  }
0x49: {  	_ =	shalt  }
0x4a: {  	_ =	shalt  }
0x4b: {  	_ =	shalt  }
0x4c: {  	_ =	shalt  }
0x4d: {  	_ =	shalt  }
0x4e: {  	_ =	shalt  }
0x4f: {  	_ =	shalt  }
0x50: {  	_ =	shalt  }
0x51: {  	_ =	shalt  }
0x52: {  	_ =	shalt  }
0x53: {  	_ =	shalt  }
0x54: {  	_ =	shalt  }
0x55: {  	_ =	shalt  }
0x56: {  	_ =	shalt  }
0x57: {  	_ =	shalt  }
0x58: {  	_ =	shalt  }
0x59: {  	_ =	shalt  }
0x5a: {  	_ =	shalt  }
0x5b: {  	_ =	shalt  }
0x5c: {  	_ =	shalt  }
0x5d: {  	_ =	shalt  }
0x5e: {  	_ =	shalt  }
0x5f: {  	_ =	shalt  }
0x60: {  	_ =	shalt  }
0x61: {  	_ =	shalt  }
0x62: {  	_ =	shalt  }
0x63: {  	_ =	shalt  }
0x64: {  	_ =	shalt  }
0x65: {  	_ =	shalt  }
0x66: {  	_ =	shalt  }
0x67: {  	_ =	shalt  }
0x68: {  	_ =	shalt  }
0x69: {  	_ =	shalt  }
0x6a: {  	_ =	shalt  }
0x6b: {  	_ =	shalt  }
0x6c: {  	_ =	shalt  }
0x6d: {  	_ =	shalt  }
0x6e: {  	_ =	shalt  }
0x6f: {  	_ =	shalt  }
0x70: {  	_ =	shalt  }
0x71: {  	_ =	shalt  }
0x72: {  	_ =	shalt  }
0x73: {  	_ =	shalt  }
0x74: {  	_ =	shalt  }
0x75: {  	_ =	shalt  }
0x76: {  	_ =	shalt  }
0x77: {  	_ =	shalt  }
0x78: {  	_ =	shalt  }
0x79: {  	_ =	shalt  }
0x7a: {  	_ =	shalt  }
0x7b: {  	_ =	shalt  }
0x7c: {  	_ =	shalt  }
0x7d: {  	_ =	shalt  }
0x7e: {  	_ =	shalt  }
0x7f: {  	_ =	shalt  }
0x80: {  	_ =	shalt  }
0x81: {  	_ =	shalt  }
0x82: {  	_ =	shalt  }
0x83: {  	_ =	shalt  }
0x84: {  	_ =	shalt  }
0x85: {  	_ =	shalt  }
0x86: {  	_ =	shalt  }
0x87: {  	_ =	shalt  }
.Lfunc_end0:
.L_simem_size_0:
called_computation.1_lowered:
.L_overlay_start_0:
0x88: {  	s2 =	sld [smem:$0x3FD9]  }
0x89: {  	s3 =	sld [smem:$0x3FFE];
	_ =	sdelay $0x1  }
0x8a: {  	s1 =	srdreg.scid  }
0x8b: {  	s0 =	sand.u32 $0x1, s1  }
0x8c: {  	s17 =	sshll.u32 s0, $0xA;
	s2 =	sadd.s32 s3, s2  }
0x8d: {  	s2 =	sadd.s32 s2, s17  }
0x8e: {  	[smem:$0x3FC6] =	sst s2  }
0x8f: {  	_ = 	snop  }
0x90: {  	s2 =	sld [smem:$0x3FD0];
	(tm) =	ssettm $0x1  }
0x91: {  	s18 =	sld [smem:$0x3FFB];
	_ =	sdelay $0x3  }
0x92: {  	_ =	strace s18  }
0x93: {  	s3 =	sld [smem:$0x3FFC];
	_ =	sdelay $0x3  }
0x94: {  	_ =	strace s3  }
0x95: {  	s3 =	sld [smem:$0x3FFD];
	_ =	sdelay $0x3  }
0x96: {  	_ =	strace s3  }
0x97: {  	_ =	strace $0x8FFFFFFF  }
0x98: {  	s19 =	sld [smem:$0x3FDB];
	_ =	sdelay $0x1  }
0x99: {  	s4 =	simm.s32 $_scs_section_size  }
0x9a: {  	s5 =	simm.s32 $_size__tile_overlayer_lowered;
	s6 =	simm.s32 $_tile_overlayer_lowered  }
0x9b: {  	s22 =	simm.s32 $0x1BFF;
	s21 =	sshll.u32 s6, $0x1;
	s3 =	sadd.s32 s4, s19  }
0x9c: {  	s7 =	simm.s32 $0x0;
	s20 =	sshll.u32 s5, $0x1;
	s5 =	sadd.s32 s21, s3  }
0x9d: {  	[timem:s7], [sflag:s22] =	dma.local [hbm:s5], s20  }
0x9e: {  	_ =	swait.ge [sflag:s22], s20  }
0x9f: {  	s4 =	ssub.s32 $0x0, s20;
	[sflag:s22] =	ssyncset.done $0x0  }
0xa0: {  	[sflag:s22] =	ssyncadd.s32 s4;
	_ =	sdelay $0x1  }
0xa1: {  	s23 =	simm.s32 $0x1B8B  }
0xa2: {  	_ =	swait.ge [sflag:s23], $0x1  }
0xa3: {  	[sflag:s23] =	ssyncset.done $0x0  }
0xa4: {  	s25 =	simm.s32 $0x1B8E;
	s24 =	sld [smem:$0x3FFE];
	[sflag:s23] =	ssyncadd.s32 $0xFFFFFFFF  }
0xa5: {  	s26 =	simm.s32 $execute0_lowered;
	[smem:$0x3FD2] =	sst s25  }
0xa6: {  	s5 =	sshll.u32 s26, $0x1;
	_ =	strace $0x80000046;
	[dreg:$0x1] =	wrdreg $0xFFFFFFFF  }
0xa7: {  	s28 =	simm.s32 $_size_execute0_lowered;
	s3 =	sadd.s32 s3, s5;
	[dreg:$0x0] =	wrdreg $0x0  }
0xa8: {  	s5 =	sshll.u32 s28, $0x1;
	[dreg:$0x2] =	wrdreg s3  }
0xa9: {  	[dreg:$0x3] =	wrdreg s5  }
0xaa: {  	[dreg:$0x4] =	wrdreg $0xC0  }
0xab: {  	_ =	task [dreg:s7], $0x5FFFF  }
0xac: {  	[dreg:$0x1] =	wrdreg $0xFFFFFFFF  }
0xad: {  	[dreg:$0x0] =	wrdreg $0x60  }
0xae: {  	[dreg:$0x2] =	wrdreg s24  }
0xaf: {  	[dreg:$0x3] =	wrdreg s2  }
0xb0: {  	[dreg:$0x4] =	wrdreg $0x9  }
0xb1: {  	_ =	task.clear_ibuf [dreg:s7], $0x5FFFF;
	_ =	strace $0x90000046  }
0xb2: {  	s29 =	simm.s32 $0x9;
	_ =	strace $0x80000048  }
0xb3: {  	_ =	swait.ge [sflag:s29], $0x1  }
0xb4: {  	[sflag:s29] =	ssyncadd.s32 $0xFFFFFFFF  }
0xb5: {  	_ =	strace $0x90000048  }
0xb6: {  	_ =	sfence  }
0xb7: {  	s30 =	sld [smem:$0x0];
	_ =	sdelay $0x2  }
0xb8: {  	s31 =	sshll.u32 s1, $0xD;
	s1 =	sshrl.u32 s1, $0x2  }
0xb9: {  	s3 =	sand.u32 $0x4000, s31;
	s1 =	sadd.s32 s1, s30  }
0xba: {  	s0 =	sor.u32 s3, s0;
	s1 =	sshll.u32 s1, $0x11  }
0xbb: {  	s0 =	sor.u32 s1, s0  }
0xbc: {  	s0 =	sadd.s32 $0x8F2B, s0  }
0xbd: {  	[sflag:s0] =	ssyncadd.remote.s32 $0x1  }
0xbe: {  	_ =	sfence.sel $0xFFFF  }
0xbf: {  	[dreg:$0x0] =	wrdreg $0xFFFFFFFF;
	(pc) =	sbr.abs _section_cstart, $3  }
0xc0: {  	[dreg:$0x1] =	wrdreg $0xFFFFFFFF  }
0xc1: {  	_ =	task.clear_ibuf [dreg:s7], $0x2FFFF;
	_ =	strace $0x9FFFFFFF  }
0xc2: {  	(tm) =	ssettm $0x7FFFFFFF  }
0xc3: {  	_ =	shalt  }
tec
execute0_lowered:
.L_overlay_start_1:
0x0: {  	(tag) =	ssettag $0x1  }
0x1: {  	s1 =	srdreg.scid  }
0x2: {  	s0 =	stileid.u32;
	s4 =	rddreg [dreg:$0x0]  }
0x3: {  	s6 =	rddreg [dreg:$0x1];
	s2 =	simm.s32 $0x0;
	s11 =	simm.s32 $0x100  }
0x4: {  	s12 =	simm.s32 $0x5900;
	s13 =	simm.s32 $0x180;
	s14 =	simm.s32 $0x7900  }
0x5: {  	s15 =	simm.s32 $0x200;
	s16 =	simm.s32 $0x9900;
	s17 =	simm.s32 $0x9  }
0x6: {  	s18 =	simm.s32 $0xA;
	s19 =	simm.s32 $0xB;
	s20 =	simm.s32 $0xC  }
0x7: {  	s21 =	simm.s32 $0x7;
	s22 =	simm.s32 $0x8;
	s23 =	simm.s32 $0x0  }
0x8: {  	s3 =	sand.u32 $0x1, s1;
	s31 =	sshll.u32 s0, $0x1;
	s7 =	smul.u32 $0xC8000, s0  }
0x9: {  	[smem:$0x7FF] =	sst s2;
	s1 =	sor.u32 s3, s31;
	s9 =	smul.u32 $0x64000, s3  }
0xa: {  	s8 =	ssub.s32 $0x2, s3;
	s3 =	sadd.s32 $0xF42E00, s4;
	s5 =	smul.u32 $0x320, s1  }
.Ltmp0:
0xb: {  	s1 =	rddreg [dreg:$0x2];
	s10 =	sshrl.u32 s8, $0x1;
	(pc) =	sbr.rel .LBB2_1-.Ltmp0, $4  }
0xc: {  	_ =	strace $0x80000047;
	s8 =	ssub.s32 s8, s10;
	s7 =	sadd.s32 s9, s7  }
0xd: {  	s9 =	simm.s32 $0x1900;
	s10 =	simm.s32 $0x3900;
	s5 =	sadd.s32 s5, s4  }
0xe: {  	s7 =	sshrl.u32 s7, $0x3;
	s4 =	sadd.s32 $0xA00, s5;
	s5 =	smax.u32 s8, $0x1  }
0xf: {  	s6 =	sadd.s32 s7, s6;
	s7 =	simm.s32 $0xD;
	s8 =	simm.s32 $0x80  }
.LBB2_7:
0x10: {  	_ =	swait.ge [sflag:s17], $0x2000  }
0x11: {  	[sflag:s17] =	ssyncset.done $0x0  }
0x12: {  	[sflag:s17] =	ssyncadd.s32 $0xFFFFE000  }
0x13: {  	_ =	swait.ge [sflag:s18], $0x2000  }
0x14: {  	[sflag:s18] =	ssyncset.done $0x0  }
0x15: {  	[sflag:s18] =	ssyncadd.s32 $0xFFFFE000  }
0x16: {  	_ =	swait.ge [sflag:s19], $0x2000  }
0x17: {  	[sflag:s19] =	ssyncset.done $0x0  }
0x18: {  	[sflag:s19] =	ssyncadd.s32 $0xFFFFE000  }
0x19: {  	_ =	swait.ge [sflag:s20], $0x2000  }
0x1a: {  	[sflag:s20] =	ssyncset.done $0x0  }
0x1b: {  	s23 =	sadd.s32 $0x1, s23;
	[sflag:s20] =	ssyncadd.s32 $0xFFFFE000  }
0x1c: {  	p0 =	sne.s32 s23, s5;
	_ =	swait.ge [sflag:s21], $0x2000  }
.Ltmp1:
0x1d: {  	[sflag:s21] =	ssyncset.done $0x0;
	(pc) =	sbr.rel @!p0 .LBB2_8-.Ltmp1, $4  }
0x1e: {  	[sflag:s21] =	ssyncadd.s32 $0xFFFFE000  }
0x1f: {  	_ =	swait.ge [sflag:s22], $0x2000  }
0x20: {  	[sflag:s22] =	ssyncset.done $0x0  }
0x21: {  	[sflag:s22] =	ssyncadd.s32 $0xFFFFE000  }
.LBB2_1:
0x22: {  	[tilespmem:s2], [sflag:$0xD] =	stream.linear.gather [hbm4b:s4+s2], $0x1900, $0x38;
	[tilespmem:$0xD900] =	vst v63  }
0x23: {  	_ =	swait.ge [sflag:s7], $0x1900  }
0x24: {  	[sflag:s7] =	ssyncset.done $0x0  }
0x25: {  	[sflag:s7] =	ssyncadd.s32 $0xFFFFE700  }
0x26: {  	[tilespmem:s9], [sflag:$0x1] =	stream.indirect.gather [hbm4b:s3+s8], $0x40, s2, s8, $0xb8;
	[tilespmem:$0xD900] =	vst v63  }
0x27: {  	_ = 	snop  }
0x28: {  	[tilespmem:s10], [sflag:$0x2] =	stream.indirect.gather [hbm4b:s3+s8], $0x40, s8, s8, $0xb8;
	[tilespmem:$0xD900] =	vst v63  }
0x29: {  	_ = 	snop  }
0x2a: {  	[tilespmem:s12], [sflag:$0x3] =	stream.indirect.gather [hbm4b:s3+s8], $0x40, s11, s8, $0xb8;
	[tilespmem:$0xD900] =	vst v63  }
.Ltmp2:
0x2b: {  	_ = 	snop;
	(pc) =	sbr.rel .LBB2_2-.Ltmp2, $4  }
0x2c: {  	_ = 	snop  }
0x2d: {  	[tilespmem:s14], [sflag:$0x4] =	stream.indirect.gather [hbm4b:s3+s8], $0x40, s13, s8, $0xb8;
	[tilespmem:$0xD900] =	vst v63  }
0x2e: {  	s28 =	simm.s32 $0xFFFFFFFF;
	s24 =	simm.s32 $0x280;
	s25 =	smov.u32 s6  }
0x2f: {  	[tilespmem:s16], [sflag:$0x5] =	stream.indirect.gather [hbm4b:s3+s8], $0x40, s15, s8, $0xb8;
	[tilespmem:$0xD900] =	vst v63  }
.LBB2_3:
0x30: {  	s29 =	smul.u32 $0xAB, s28;
	_ =	sdelay $0x1  }
0x31: {  	s29 =	sshrl.u32 s29, $0xA  }
0x32: {  	s29 =	sand.u32 $0x3F, s29  }
0x33: {  	s29 =	smul.u32 $0x6, s29;
	_ =	sdelay $0x1  }
0x34: {  	s29 =	ssub.s32 s28, s29  }
0x35: {  	s29 =	sand.u32 $0xFF, s29  }
0x36: {  	s29 =	sadd.s32 $0x7, s29  }
0x37: {  	_ =	swait.ge [sflag:s29], $0x2000  }
0x38: {  	[sflag:s29] =	ssyncset.done $0x0  }
0x39: {  	[sflag:s29] =	ssyncadd.s32 $0xFFFFE000  }
.LBB2_5:
0x3a: {  	s28 =	sadd.s32 $0x6, s28  }
0x3b: {  	s29 =	smul.u32 $0xAB, s28;
	_ =	sdelay $0x1  }
0x3c: {  	s29 =	sshrl.u32 s29, $0xA  }
0x3d: {  	s29 =	sand.u32 $0x3F, s29  }
0x3e: {  	s29 =	smul.u32 $0x6, s29;
	_ =	sdelay $0x1  }
0x3f: {  	s28 =	ssub.s32 s28, s29  }
0x40: {  	s28 =	sand.u32 $0xFF, s28  }
0x41: {  	s31 =	sshll.u32 s28, $0xD  }
0x42: {  	s28 =	sadd.s32 $0x1, s28;
	s29 =	sor.u32 $0x1900, s31  }
0x43: {  	[tilespmem:s29], [sflag:s28] =	stream.indirect.gather [hbm4b:s3+s8], $0x40, s24, s8, $0xb8;
	[tilespmem:$0xD900] =	vst v63  }
.LBB2_6:
0x44: {  	s28 =	smul.u32 $0xAB, s26;
	_ =	sdelay $0x1  }
0x45: {  	s28 =	sshrl.u32 s28, $0xA  }
0x46: {  	s28 =	sand.u32 $0x3F, s28  }
0x47: {  	s28 =	smul.u32 $0x6, s28;
	_ =	sdelay $0x1  }
0x48: {  	s28 =	ssub.s32 s26, s28  }
0x49: {  	s28 =	sand.u32 $0xFF, s28  }
0x4a: {  	p0 =	sne.s32 s26, $0x31;
	s29 =	sadd.s32 $0x1, s28  }
.Ltmp3:
0x4b: {  	_ =	swait.ge [sflag:s29], $0x2000;
	(pc) =	sbr.rel @!p0 .LBB2_7-.Ltmp3, $4  }
0x4c: {  	s30 =	sshll.u32 s28, $0xD;
	[sflag:s29] =	ssyncset.done $0x0  }
0x4d: {  	s28 =	sadd.s32 $0x7, s28;
	s31 =	sor.u32 $0x1900, s30;
	[sflag:s29] =	ssyncadd.s32 $0xFFFFE000  }
0x4e: {  	[hbm4b:s25+s2] =	stream.linear.scatter [tilespmem:s31], [sflag:s28], $0x2000, $0x38;
	[tilespmem:$0xD900] =	vst v63  }
0x4f: {  	s24 =	sadd.s32 $0x80, s24;
	s25 =	sadd.s32 $0x400, s25;
	s28 =	smov.u32 s26  }
.LBB2_2:
0x50: {  	p0 =	sgt.u32 s28, $0x2B  }
.Ltmp4:
0x51: {  	_ = 	snop;
	(pc) =	sbr.rel @!p0 .LBB2_3-.Ltmp4, $2  }
0x52: {  	_ =	sdelay $0x2  }
0x53: {  	s26 =	sadd.s32 $0x1, s28  }
0x54: {  	p0 =	sgt.u32 s26, $0x2C  }
.Ltmp5:
0x55: {  	_ = 	snop;
	(pc) =	sbr.rel @p0 .LBB2_6-.Ltmp5, $4  }
.Ltmp6:
0x56: {  	_ = 	snop;
	(pc) =	sbr.rel @!p0 .LBB2_5-.Ltmp6, $4  }
0x57: {  	_ = 	snop  }
0x58: {  	_ = 	snop  }
0x59: {  	_ = 	snop  }
0x5a: {  	_ = 	snop  }
.LBB2_8:
0x5b: {  	_ =	sfence.sel $0x180000  }
0x5c: {  	[bflag:$0x0] =	sbarrier.arrive $0xFFFF  }
0x5d: {  	p0 =	sne.s32 s0, $0x0;
	_ =	strace $0x90000047  }
0x5e: {  	s0 =	sadd.s32 @!p0 $0x100000, s1;
	[bflag:$0x2] =	sbarrier.arrive $0xFFFF  }
0x5f: {  	[sflag:s0] =	ssyncadd.tile.s32 @!p0 $0x1;
	_ =	shalt  }
.Lfunc_end2:
_tile_overlayer_lowered:
.L_overlay_start_2:
0x60: {  	(tag) =	ssettag $0x2  }
0x61: {  	s0 =	rddreg [dreg:$0x0];
	s2 =	stileid.u32  }
0x62: {  	s1 =	rddreg [dreg:$0x1];
	p0 =	sne.s32 s2, $0x0  }
0x63: {  	s3 =	rddreg [dreg:$0x2];
	[bflag:$0x3] =	sbarrier.arrive $0xFFFF;
	s2 =	simm.s32 @!p0 $0x1C0D  }
0x64: {  	[timem:s3], [sflag:s2] =	dma.local @!p0 [hbm:s0], s1  }
0x65: {  	s0 =	simm.s32 @!p0 $0xD  }
0x66: {  	_ =	swait.ge @!p0 [sflag:s0], s1  }
0x67: {  	s1 =	ssub.s32 @!p0 $0x0, s1;
	[sflag:s0] =	ssyncset.done @!p0 $0x0  }
0x68: {  	[sflag:s0] =	ssyncadd.s32 @!p0 s1  }
0x69: {  	[bflag:$0x3] =	sbarrier.arrive $0xFFFF  }
0x6a: {  	_ =	shalt  }

// kernel: sparse-core-data-format-call.cloned.1.call-start
scs
called_computation_lowered:
.L_overlay_start_0:
0x0: {  	s2 =	sld [smem:$0x3FD9]  }
0x1: {  	s3 =	sld [smem:$0x3FFE];
	_ =	sdelay $0x1  }
0x2: {  	s1 =	srdreg.scid  }
0x3: {  	s0 =	sand.u32 $0x1, s1  }
0x4: {  	s18 =	sshll.u32 s0, $0xA;
	s2 =	sadd.s32 s3, s2  }
0x5: {  	s2 =	sadd.s32 s2, s18  }
0x6: {  	[smem:$0x3FC6] =	sst s2  }
0x7: {  	_ = 	snop  }
0x8: {  	s2 =	sld [smem:$0x3FD0];
	(tm) =	ssettm $0x1  }
0x9: {  	s19 =	sld [smem:$0x3FFB];
	_ =	sdelay $0x3  }
0xa: {  	_ =	strace s19  }
0xb: {  	s3 =	sld [smem:$0x3FFC];
	_ =	sdelay $0x3  }
0xc: {  	_ =	strace s3  }
0xd: {  	s3 =	sld [smem:$0x3FFD];
	_ =	sdelay $0x3  }
0xe: {  	_ =	strace s3  }
0xf: {  	_ =	strace $0x8FFFFFFF  }
0x10: {  	s20 =	sld [smem:$0x3FDB];
	_ =	sdelay $0x1  }
0x11: {  	s4 =	simm.s32 $_scs_section_size  }
0x12: {  	s5 =	simm.s32 $_size__tile_overlayer_lowered;
	s6 =	simm.s32 $_tile_overlayer_lowered  }
0x13: {  	s23 =	simm.s32 $0x1BFF;
	s22 =	sshll.u32 s6, $0x1;
	s3 =	sadd.s32 s4, s20  }
0x14: {  	s7 =	simm.s32 $0x0;
	s21 =	sshll.u32 s5, $0x1;
	s5 =	sadd.s32 s22, s3  }
0x15: {  	[timem:s7], [sflag:s23] =	dma.local [hbm:s5], s21  }
0x16: {  	_ =	swait.ge [sflag:s23], s21  }
0x17: {  	s4 =	ssub.s32 $0x0, s21;
	[sflag:s23] =	ssyncset.done $0x0  }
0x18: {  	[sflag:s23] =	ssyncadd.s32 s4;
	_ =	sdelay $0x1  }
0x19: {  	s24 =	simm.s32 $0x1B8B  }
0x1a: {  	_ =	swait.ge [sflag:s24], $0x1  }
0x1b: {  	[sflag:s24] =	ssyncset.done $0x0  }
0x1c: {  	s26 =	simm.s32 $0x1B8E;
	s25 =	sld [smem:$0x3FFE];
	[sflag:s24] =	ssyncadd.s32 $0xFFFFFFFF  }
0x1d: {  	s27 =	simm.s32 $execute0_lowered;
	[smem:$0x3FD2] =	sst s26  }
0x1e: {  	s5 =	sshll.u32 s27, $0x1;
	_ =	strace $0x80000049;
	[dreg:$0x1] =	wrdreg $0xFFFFFFFF  }
0x1f: {  	s28 =	simm.s32 $_size_execute0_lowered;
	s3 =	sadd.s32 s3, s5;
	[dreg:$0x0] =	wrdreg $0x0  }
0x20: {  	s5 =	sshll.u32 s28, $0x1;
	[dreg:$0x2] =	wrdreg s3  }
0x21: {  	[dreg:$0x3] =	wrdreg s5  }
0x22: {  	[dreg:$0x4] =	wrdreg $0xC0  }
0x23: {  	_ =	task [dreg:s7], $0x5FFFF  }
0x24: {  	[dreg:$0x1] =	wrdreg $0xFFFFFFFF  }
0x25: {  	[dreg:$0x0] =	wrdreg $0x60  }
0x26: {  	[dreg:$0x2] =	wrdreg s25  }
0x27: {  	[dreg:$0x3] =	wrdreg s2  }
0x28: {  	[dreg:$0x4] =	wrdreg $0x9  }
0x29: {  	_ =	task.clear_ibuf [dreg:s7], $0x5FFFF;
	_ =	strace $0x90000049  }
0x2a: {  	s29 =	simm.s32 $0x9;
	_ =	strace $0x8000004B  }
0x2b: {  	_ =	swait.ge [sflag:s29], $0x1  }
0x2c: {  	[sflag:s29] =	ssyncadd.s32 $0xFFFFFFFF  }
0x2d: {  	_ =	strace $0x9000004B  }
0x2e: {  	_ =	sfence  }
0x2f: {  	s30 =	sld [smem:$0x0];
	_ =	sdelay $0x2  }
0x30: {  	s31 =	sshll.u32 s1, $0xD;
	s1 =	sshrl.u32 s1, $0x2  }
0x31: {  	s3 =	sand.u32 $0x4000, s31;
	s1 =	sadd.s32 s1, s30  }
0x32: {  	s0 =	sor.u32 s3, s0;
	s1 =	sshll.u32 s1, $0x11  }
0x33: {  	s0 =	sor.u32 s1, s0  }
0x34: {  	s0 =	sadd.s32 $0x8F2B, s0  }
0x35: {  	[sflag:s0] =	ssyncadd.remote.s32 $0x1  }
0x36: {  	_ =	sfence.sel $0xFFFF  }
0x37: {  	[dreg:$0x0] =	wrdreg $0xFFFFFFFF;
	(pc) =	sbr.abs _section_cstart, $3  }
0x38: {  	[dreg:$0x1] =	wrdreg $0xFFFFFFFF  }
0x39: {  	_ =	task.clear_ibuf [dreg:s7], $0x2FFFF;
	_ =	strace $0x9FFFFFFF  }
0x3a: {  	(tm) =	ssettm $0x7FFFFFFF  }
0x3b: {  	_ =	shalt  }
tec
execute0_lowered:
.L_overlay_start_1:
0x0: {  	(tag) =	ssettag $0x1  }
0x1: {  	s0 =	srdreg.scid  }
0x2: {  	s1 =	sshll.u32 s0, $0x4  }
0x3: {  	s5 =	rddreg [dreg:$0x0];
	s0 =	stileid.u32;
	s1 =	sand.u32 $0x10, s1  }
0x4: {  	s3 =	rddreg [dreg:$0x1];
	s31 =	simm.s32 $0x2;
	s4 =	sor.u32 s0, s1  }
0x5: {  	s13 =	simm.s32 $0x0;
	s9 =	simm.s32 $0x400;
	s2 =	sshll.u32 s4, $0x7  }
0x6: {  	s10 =	simm.s32 $0x8000;
	s14 =	simm.s32 $0x0;
	s6 =	ssub.s32 $0x1000, s2  }
0x7: {  	s1 =	rddreg [dreg:$0x2];
	_ =	strace $0x8000004A;
	s7 =	sand.u32 $0xF80, s6  }
0x8: {  	s4 =	sshll.u32 s4, $0xB;
	p0 =	sne.s32 s7, $0x0;
	s7 =	simm.s32 $0x1  }
.Ltmp0:
0x9: {  	s6 =	sshrl.u32 s6, $0xC;
	s7 =	simm.s32 @!p0 $0x0;
	(pc) =	sbr.rel .LBB1_1-.Ltmp0, $4  }
0xa: {  	s8 =	sadd.s32 s4, s5;
	s4 =	simm.s32 $0x1;
	s30 =	sadd.s32 s7, s6  }
0xb: {  	s11 =	simm.s32 $0x0;
	[sflag:s4] =	ssyncpa.u1 $0x0;
	s5 =	smul.u32 $0x19, s30  }
0xc: {  	s12 =	simm.s32 $0x0;
	[sflag:s31] =	ssyncpa.u1 $0x0;
	p0 =	por $0x0, $0x0  }
0xd: {  	s6 =	sadd.s32 $0xA00, s8;
	s7 =	sadd.s32 $0x10A00, s8;
	s8 =	sadd.s32 $0x1, s5  }
.LBB1_7:
0xe: {  	s15 =	sadd.s32 $0x2, s11  }
0xf: {  	p2 =	sgt.s32 s15, $0x31  }
0x10: {  	s15 =	simm.s32 @p2 $0x0;
	p2 =	sne.s32 s12, s8  }
.Ltmp1:
0x11: {  	p1 =	slt.u32 s12, $0x2;
	(pc) =	sbr.rel @!p2 .LBB1_8-.Ltmp1, $4  }
0x12: {  	s13 =	simm.s32 @!p1 $0x2  }
0x13: {  	s16 =	sadd.s32 $0x1, s12;
	s14 =	smov.u32 s11;
	_ =	swait.ge @!p1 [sflag:s13], $0x4000  }
0x14: {  	p0 =	por !p0, !p0;
	s12 =	smov.u32 s16;
	[sflag:s13] =	ssyncset.done @!p1 $0x0  }
0x15: {  	s11 =	smov.u32 s15;
	[sflag:s13] =	ssyncadd.s32 @!p1 $0xFFFFC000;
	s13 =	smov.u32 s2  }
.LBB1_1:
0x16: {  	p1 =	sge.u32 s12, s5  }
0x17: {  	s15 =	sxor.u32 @!p1 $0xFFFFFFFF, s12  }
0x18: {  	s16 =	sshll.u32 @!p1 s11, $0x10;
	s18 =	simm.s32 @!p1 $0x40;
	s15 =	sshll.u32 @!p1 s15, $0xE  }
0x19: {  	s19 =	simm.s32 @!p1 $0x80;
	s17 =	sadd.s32 @!p1 s16, s6;
	s15 =	sand.u32 @!p1 $0x4000, s15  }
0x1a: {  	[tilespmem:s15], [sflag:$0x1] =	stream.strided.gather @!p1 [hbm4b:s17+s18], $0x2000, s19, s18, $0x38;
	[tilespmem:$0x10100] =	vst v63  }
0x1b: {  	s31 =	sadd.s32 $0xFFFFFFFF, s12;
	s16 =	sadd.s32 @!p1 s16, s7;
	s15 =	sor.u32 @!p1 $0x2000, s15  }
0x1c: {  	[tilespmem:s15], [sflag:$0x1] =	stream.strided.gather @!p1 [hbm4b:s16+s18], $0x2000, s19, s18, $0x38;
	[tilespmem:$0x10100] =	vst v63  }
0x1d: {  	p1 =	sge.u32 s31, s5  }
.Ltmp2:
0x1e: {  	_ = 	snop;
	(pc) =	sbr.rel @p1 .LBB1_7-.Ltmp2, $1  }
0x1f: {  	_ =	sdelay $0x3  }
0x20: {  	s15 =	simm.s32 $0x1;
	s17 =	sand.u32 $0x1, s12  }
0x21: {  	_ =	swait.ge [sflag:s4], $0x4000;
	s15 =	simm.s32 @!p0 $0x0;
	s17 =	smul.u32 $0x10200, s17  }
0x22: {  	p2 =	por $0x1, $0x1;
	[sflag:s4] =	ssyncset.done $0x0;
	s16 =	smul.u32 $0x10200, s15  }
0x23: {  	s18 =	sshll.u32 s15, $0x10;
	[sflag:s4] =	ssyncadd.s32 $0xFFFFC000;
	s30 =	sshrl.u32 s17, $0x2  }
0x24: {  	s31 =	sshrl.u32 s18, $0x2;
	s18 =	simm.s32 $0x0;
	s16 =	sshrl.u32 s16, $0x2  }
0x25: {  	s15 =	sor.u32 $0x8000, s30;
	s17 =	sadd.s32 $0x20, s31;
	s16 =	sor.u32 $0x8000, s16  }
.LBB1_3:
0x26: {  	s19 =	sshll.u32 s18, $0xD  }
0x27: {  	s19 =	sand.u32 $0x3FFFE000, s19  }
0x28: {  	s21 =	sadd.s32 s19, s17  }
0x29: {  	s31 =	smul.u32 $0x8100, s18;
	v3 =	vld [tilespmem:s21+$0x10]  }
0x2a: {  	v1 =	vld [tilespmem:s21+$0xFFFFFFF0]  }
0x2b: {  	s18 =	sshra.s32 s31, $0x2;
	v0 =	vld [tilespmem:s21+$0x0]  }
0x2c: {  	s18 =	sadd.s32 s18, s16;
	v2 =	vld [tilespmem:s21+$0xFFFFFFE0]  }
0x2d: {  	s19 =	sadd.s32 $0x0, s18  }
0x2e: {  	p1 =	por p2, p2;
	s20 =	simm.s32 $0x4;
	s21 =	sadd.s32 $0x40, s21;
	[tilespmem:s19+$0x1830 ss:$0x81] =	vst.msk $0xffff, v3  }
.LBB1_4:
0x2f: {  	v3 =	vld [tilespmem:s21+$0x10];
	p2 =	sne.s32 s20, $0x1FC;
	[tilespmem:s19+$0x810 ss:$0x81] =	vst.msk $0xffff, v1;
	s22 =	smov.u32 s20;
	s20 =	sadd.s32 $0x4, s20  }
.Ltmp3:
0x30: {  	v1 =	vld [tilespmem:s21+$0xFFFFFFF0];
	[tilespmem:s19+$0x1020 ss:$0x81] =	vst.msk $0xffff, v0;
	(pc) =	sbr.rel @p2 .LBB1_4-.Ltmp3, $4  }
0x31: {  	v0 =	vld [tilespmem:s21+$0x0];
	[tilespmem:s19+$0x0 ss:$0x81] =	vst.msk $0xffff, v2  }
0x32: {  	s19 =	sshra.s32 s22, $0x2;
	v2 =	vld [tilespmem:s21+$0xFFFFFFE0]  }
0x33: {  	s19 =	sadd.s32 s19, s18  }
0x34: {  	s21 =	sadd.s32 $0x40, s21;
	[tilespmem:s19+$0x1830 ss:$0x81] =	vst.msk $0xffff, v3  }
.Ltmp4:
0x35: {  	(pc) =	sbr.rel @p1 .LBB1_3-.Ltmp4, $4  }
0x36: {  	_ = 	snop  }
0x37: {  	[tilespmem:s19+$0x810 ss:$0x81] =	vst.msk $0xffff, v1  }
0x38: {  	[tilespmem:s19+$0x1020 ss:$0x81] =	vst.msk $0xffff, v0  }
0x39: {  	s18 =	simm.s32 $0x1;
	p2 =	por $0x0, $0x0;
	[tilespmem:s19+$0x0 ss:$0x81] =	vst.msk $0xffff, v2  }
.Ltmp5:
0x3a: {  	(pc) =	sbr.rel .LBB1_7-.Ltmp5, $4  }
0x3b: {  	s14 =	sshll.u32 s14, $0xF  }
0x3c: {  	s14 =	sadd.s32 s3, s14  }
0x3d: {  	s13 =	sadd.s32 s13, s14  }
0x3e: {  	[hbm4b:s13+s9] =	stream.strided.scatter [tilespmem:s15], [sflag:$0x2], $0x4000, s10, s9, $0x20;
	[tilespmem:$0x10100] =	vst v63  }
.LBB1_8:
0x3f: {  	_ =	sfence.sel $0x180000  }
0x40: {  	s2 =	simm.s32 $0x1;
	[bflag:$0x0] =	sbarrier.arrive $0xFFFF  }
0x41: {  	s31 =	simm.s32 $0x2;
	[sflag:s2] =	ssyncpa.u1 $0x1  }
0x42: {  	[sflag:s31] =	ssyncpa.u1 $0x1  }
0x43: {  	p0 =	sne.s32 s0, $0x0;
	_ =	strace $0x9000004A  }
0x44: {  	s0 =	sadd.s32 @!p0 $0x100000, s1;
	[bflag:$0x2] =	sbarrier.arrive $0xFFFF  }
0x45: {  	[sflag:s0] =	ssyncadd.tile.s32 @!p0 $0x1;
	_ =	shalt  }
.Lfunc_end1:
_tile_overlayer_lowered:
.L_overlay_start_2:
0x46: {  	(tag) =	ssettag $0x2  }
0x47: {  	s0 =	rddreg [dreg:$0x0];
	s2 =	stileid.u32  }
0x48: {  	s1 =	rddreg [dreg:$0x1];
	p0 =	sne.s32 s2, $0x0  }
0x49: {  	s3 =	rddreg [dreg:$0x2];
	[bflag:$0x3] =	sbarrier.arrive $0xFFFF;
	s2 =	simm.s32 @!p0 $0x1C01  }
0x4a: {  	[timem:s3], [sflag:s2] =	dma.local @!p0 [hbm:s0], s1  }
0x4b: {  	s0 =	simm.s32 @!p0 $0x1  }
0x4c: {  	_ =	swait.ge @!p0 [sflag:s0], s1  }
0x4d: {  	s1 =	ssub.s32 @!p0 $0x0, s1;
	[sflag:s0] =	ssyncset.done @!p0 $0x0  }
0x4e: {  	[sflag:s0] =	ssyncadd.s32 @!p0 s1  }
0x4f: {  	[bflag:$0x3] =	sbarrier.arrive $0xFFFF  }
0x50: {  	_ =	shalt  }

</sc_bundles>
